<compile_context>
chip_gen: v7x
topology: tpu7x:2x2x1
jax: 0.10.2.dev20260603
libtpu: 0.0.44.dev20260713+nightly
codegen_flags: <defaults>
</compile_context>

<pallas_src>
import functools

import jax
import jax.numpy as jnp
from jax import lax
from jax.experimental import pallas as pl
from jax.experimental.pallas import tpu as pltpu
from jax.experimental.pallas import tpu_sc as plsc

_NC = 2
_NS = 16
_NW = _NC * _NS
_LANES = 16


def _combine_tables_body(w0_ref, w1_ref, w2_ref, t_ref):
    rows = t_ref.shape[0]

    def onehot(n, sel):
        r = lax.broadcasted_iota(jnp.int32, (rows, n), 0)
        c = lax.broadcasted_iota(jnp.int32, (rows, n), 1)
        return (sel(r) == c).astype(jnp.float32)

    hi = jax.lax.Precision.HIGHEST
    t = jnp.dot(onehot(w0_ref.shape[0], lambda r: r // 32), w0_ref[:],
                preferred_element_type=jnp.float32, precision=hi)
    t += jnp.dot(onehot(w1_ref.shape[0], lambda r: (r // 4) % 8), w1_ref[:],
                 preferred_element_type=jnp.float32, precision=hi)
    t += jnp.dot(onehot(w2_ref.shape[0], lambda r: r % 4), w2_ref[:],
                 preferred_element_type=jnp.float32, precision=hi)
    t_ref[:] = t


def _build_table(W0, W1, W2):
    rows = 7 * 8 * 4
    return pl.pallas_call(
        _combine_tables_body,
        out_shape=jax.ShapeDtypeStruct((rows, W0.shape[1]), jnp.float32),
    )(W0, W1, W2)


def _make_lookup(E, H):
    PW = E // _NW
    assert E % _NW == 0
    CH = 128
    NCH = PW // CH
    TAIL = PW - NCH * CH
    NV = (PW + _LANES - 1) // _LANES
    EA_PAD = NV * _LANES * 3

    mesh = plsc.VectorSubcoreMesh(core_axis_name="c", subcore_axis_name="s")

    @functools.partial(
        pl.kernel,
        out_type=jax.ShapeDtypeStruct((E, H), jnp.float32),
        mesh=mesh,
        compiler_params=pltpu.CompilerParams(needs_layout_passes=False),
        scratch_types=[
            pltpu.VMEM((EA_PAD,), jnp.int32),
            pltpu.VMEM((NV * _LANES,), jnp.int32),
            pltpu.VMEM((CH, H), jnp.float32),
            pltpu.SemaphoreType.DMA,
        ],
    )
    def lookup(t_hbm, ea_hbm, out_hbm, ea_v, c_v, buf, sem):
        wid = lax.axis_index("s") * _NC + lax.axis_index("c")
        base = wid * PW

        pltpu.sync_copy(ea_hbm.at[pl.ds(base * 3, PW * 3)],
                        ea_v.at[pl.ds(0, PW * 3)])

        def idx_step(j, carry):
            lanes = lax.iota(jnp.int32, _LANES) * 3 + j * (3 * _LANES)
            a0 = plsc.load_gather(ea_v, [lanes])
            a1 = plsc.load_gather(ea_v, [lanes + 1])
            a2 = plsc.load_gather(ea_v, [lanes + 2])
            a0 = jnp.clip(a0, 0, 6)
            a1 = jnp.clip(a1, 0, 7)
            a2 = jnp.clip(a2, 0, 3)
            c_v[pl.ds(j * _LANES, _LANES)] = a0 * 32 + a1 * 4 + a2
            return carry

        lax.fori_loop(0, NV, idx_step, 0)

        def chunk_step(i, carry):
            pltpu.async_copy(t_hbm.at[c_v.at[pl.ds(i * CH, CH)]],
                             buf, sem).wait()
            pltpu.sync_copy(buf, out_hbm.at[pl.ds(base + i * CH, CH)])
            return carry

        lax.fori_loop(0, NCH, chunk_step, 0)

        if TAIL:
            pltpu.async_copy(t_hbm.at[c_v.at[pl.ds(NCH * CH, TAIL)]],
                             buf.at[pl.ds(0, TAIL)], sem).wait()
            pltpu.sync_copy(buf.at[pl.ds(0, TAIL)],
                            out_hbm.at[pl.ds(base + NCH * CH, TAIL)])

    return lookup


def kernel(edge_attr, W0, W1, W2):
    E = edge_attr.shape[0]
    H = W0.shape[1]
    table = _build_table(W0, W1, W2)
    ea_flat = edge_attr.astype(jnp.int32).reshape(-1)
    return _make_lookup(E, H)(table, ea_flat)

# --- scband reference (transcript-rebuilt; emitter-appended) ---
"""Pipeline reference for scband-bond-encoder-31284541784441 (READ-ONLY COPY).

The authoritative reference and input builder live on the scoring server;
editing this copy changes nothing except your own understanding.
"""

import jax, jax.numpy as jnp
import numpy as np

E = 160000
H = 256
TABLE_ROWS = [7, 8, 4]  # full_bond_feature_dims [5,6,2] + 2 each


def _xavier_uniform(key, shape):
    fan_in, fan_out = shape[0], shape[1]
    limit = float(np.sqrt(6.0 / (fan_in + fan_out)))
    return jax.random.uniform(key, shape, minval=-limit, maxval=limit, dtype=jnp.float32)


def setup_inputs(seed: int = 0) -> dict:
    key = jax.random.key(seed)
    k_idx, k0, k1, k2 = jax.random.split(key, 4)
    edge_attr = jax.random.randint(k_idx, (E, 3), 0, 4)
    W0 = _xavier_uniform(k0, (TABLE_ROWS[0], H))
    W1 = _xavier_uniform(k1, (TABLE_ROWS[1], H))
    W2 = _xavier_uniform(k2, (TABLE_ROWS[2], H))
    return {"edge_attr": edge_attr, "W0": W0, "W1": W1, "W2": W2}


def reference(edge_attr, W0, W1, W2):
    # BondEncoder.forward: sum of per-feature embedding lookups.
    # Note: xavier_uniform_ in __init__ overwrites the padding row, so the
    # padding_idx row participates in the forward pass with its xavier value.
    bond_embedding = jnp.take(W0, edge_attr[..., 0], axis=0)
    bond_embedding = bond_embedding + jnp.take(W1, edge_attr[..., 1], axis=0)
    bond_embedding = bond_embedding + jnp.take(W2, edge_attr[..., 2], axis=0)
    return bond_embedding

if __name__ == "__main__":
    import jax
    _d = setup_inputs()
    print(jax.jit(kernel)(*tuple(_d.values())))

</pallas_src>

<mosaic_0001>
#map = affine_map<(d0, d1) -> (0, 0)>
#map1 = affine_map<(d0, d1) -> (0)>
module attributes {stable_mosaic.version = 14 : i64} {
  func.func @lookup(%arg0: i32, %arg1: i32, %arg2: memref<224x256xf32, #tpu.memory_space<hbm>>, %arg3: memref<480000xi32, #tpu.memory_space<hbm>>, %arg4: memref<160000x256xf32, #tpu.memory_space<hbm>>, %arg5: memref<15024xi32, #tpu.memory_space<vmem>>, %arg6: memref<5008xi32, #tpu.memory_space<vmem>>, %arg7: memref<128x256xf32, #tpu.memory_space<vmem>>, %arg8: memref<!tpu.dma_semaphore, #tpu.memory_space<semaphore_mem>>) attributes {dimension_semantics = [#tpu.dimension_semantics<core_parallel>, #tpu.dimension_semantics<subcore_parallel>], iteration_bounds = array<i64: 2, 16>, scalar_prefetch = 0 : i64, scratch_operands = 4 : i64, tpu.core_type = #tpu.core_type<sc_vector_subcore>, window_params = [{transform_indices = #map}, {transform_indices = #map1}, {transform_indices = #map}]} {
    %mul3A = arith.constant 2 : i32
    %mul3A_0 = arith.muli %arg1, %mul3A : i32
    %add3A = arith.addi %mul3A_0, %arg0 : i32
    %mul3A_1 = arith.constant 5000 : i32
    %mul3A_2 = arith.muli %add3A, %mul3A_1 : i32
    %mul3A_3 = arith.constant 3 : i32
    %mul3A_4 = arith.muli %mul3A_2, %mul3A_3 : i32
    "tpu.region"() ({
      %run_scoped3A = tpu.sem_alloc : memref<!tpu.dma_semaphore, #tpu.memory_space<semaphore_mem>>
      %dma_start3A_32 = arith.constant 0 : i32
      %dma_start3A_33 = tpu.memref_slice %arg5[%dma_start3A_32] : memref<15024xi32, #tpu.memory_space<vmem>> -> memref<15000xi32, #tpu.memory_space<vmem>>
      %dma_start3A_34 = tpu.memref_slice %arg3[%mul3A_4] : memref<480000xi32, #tpu.memory_space<hbm>> -> memref<15000xi32, #tpu.memory_space<hbm>>
      %dma_start3A_35 = arith.constant 0 : i32
      %dma_start3A_36 = tpu.memref_slice %arg5[%dma_start3A_35] : memref<15024xi32, #tpu.memory_space<vmem>> -> memref<15000xi32, #tpu.memory_space<vmem>>
      %dma_start3A_37 = tpu.memref_slice %arg3[%mul3A_4] : memref<480000xi32, #tpu.memory_space<hbm>> -> memref<15000xi32, #tpu.memory_space<hbm>>
      tpu.enqueue_dma source(%dma_start3A_37 : memref<15000xi32, #tpu.memory_space<hbm>>) target(%dma_start3A_36 : memref<15000xi32, #tpu.memory_space<vmem>>) target_semaphore(%run_scoped3A : memref<!tpu.dma_semaphore, #tpu.memory_space<semaphore_mem>>)
      %dma_wait3A_38 = arith.constant 0 : i32
      %dma_wait3A_39 = tpu.memref_slice %arg5[%dma_wait3A_38] : memref<15024xi32, #tpu.memory_space<vmem>> -> memref<15000xi32, #tpu.memory_space<vmem>>
      %dma_wait3A_40 = tpu.memref_slice %arg3[%mul3A_4] : memref<480000xi32, #tpu.memory_space<hbm>> -> memref<15000xi32, #tpu.memory_space<hbm>>
      %dma_wait3A_41 = arith.constant 0 : i32
      %dma_wait3A_42 = tpu.memref_slice %arg5[%dma_wait3A_41] : memref<15024xi32, #tpu.memory_space<vmem>> -> memref<15000xi32, #tpu.memory_space<vmem>>
      %dma_wait3A_43 = tpu.memref_slice %arg3[%mul3A_4] : memref<480000xi32, #tpu.memory_space<hbm>> -> memref<15000xi32, #tpu.memory_space<hbm>>
      tpu.wait_dma2 semaphore(%run_scoped3A : memref<!tpu.dma_semaphore, #tpu.memory_space<semaphore_mem>>) src(%dma_wait3A_43 : memref<15000xi32, #tpu.memory_space<hbm>>) dst(%dma_wait3A_42 : memref<15000xi32, #tpu.memory_space<vmem>>)
      tpu.yield
    }) : () -> ()
    %scan3A = arith.constant 0 : i32
    %scan3A_5 = arith.constant 0 : i32
    %scan3A_6 = arith.constant 313 : i32
    %scan3A_7 = arith.addi %scan3A_5, %scan3A_6 : i32
    %scan3A_8 = arith.constant 1 : i32
    scf.for %scan3A_32 = %scan3A_5 to %scan3A_7 step %scan3A_8  : i32 {
      %iota3A = tpu.iota {dimensions = array<i32: 0>} : vector<16xi32>
      %mul3A_33 = arith.constant 3 : i32
      %mul3A_34 = vector.broadcast %mul3A_33 : i32 to vector<16xi32>
      %mul3A_35 = arith.muli %iota3A, %mul3A_34 : vector<16xi32>
      %mul3A_36 = arith.constant 48 : i32
      %mul3A_37 = arith.muli %scan3A_32, %mul3A_36 : i32
      %add3A_38 = vector.broadcast %mul3A_37 : i32 to vector<16xi32>
      %add3A_39 = arith.addi %mul3A_35, %add3A_38 : vector<16xi32>
      %gather3A = tpu.vector_load_idx %arg5[%add3A_39] : memref<15024xi32, #tpu.memory_space<vmem>>[vector<16xi32>], vector<16xi32>,
      %add3A_40 = arith.constant 1 : i32
      %add3A_41 = vector.broadcast %add3A_40 : i32 to vector<16xi32>
      %add3A_42 = arith.addi %add3A_39, %add3A_41 : vector<16xi32>
      %gather3A_43 = tpu.vector_load_idx %arg5[%add3A_42] : memref<15024xi32, #tpu.memory_space<vmem>>[vector<16xi32>], vector<16xi32>,
      %add3A_44 = arith.constant 2 : i32
      %add3A_45 = vector.broadcast %add3A_44 : i32 to vector<16xi32>
      %add3A_46 = arith.addi %add3A_39, %add3A_45 : vector<16xi32>
      %gather3A_47 = tpu.vector_load_idx %arg5[%add3A_46] : memref<15024xi32, #tpu.memory_space<vmem>>[vector<16xi32>], vector<16xi32>,
      %jit3A = arith.constant 0 : i32
      %jit3A_48 = arith.constant 6 : i32
      %max3A = vector.broadcast %jit3A : i32 to vector<16xi32>
      %max3A_49 = arith.maxsi %max3A, %gather3A : vector<16xi32>
      %min3A = vector.broadcast %jit3A_48 : i32 to vector<16xi32>
      %min3A_50 = arith.minsi %min3A, %max3A_49 : vector<16xi32>
      %jit3A_51 = arith.constant 0 : i32
      %jit3A_52 = arith.constant 7 : i32
      %max3A_53 = vector.broadcast %jit3A_51 : i32 to vector<16xi32>
      %max3A_54 = arith.maxsi %max3A_53, %gather3A_43 : vector<16xi32>
      %min3A_55 = vector.broadcast %jit3A_52 : i32 to vector<16xi32>
      %min3A_56 = arith.minsi %min3A_55, %max3A_54 : vector<16xi32>
      %jit3A_57 = arith.constant 0 : i32
      %jit3A_58 = arith.constant 3 : i32
      %max3A_59 = vector.broadcast %jit3A_57 : i32 to vector<16xi32>
      %max3A_60 = arith.maxsi %max3A_59, %gather3A_47 : vector<16xi32>
      %min3A_61 = vector.broadcast %jit3A_58 : i32 to vector<16xi32>
      %min3A_62 = arith.minsi %min3A_61, %max3A_60 : vector<16xi32>
      %mul3A_63 = arith.constant 32 : i32
      %mul3A_64 = vector.broadcast %mul3A_63 : i32 to vector<16xi32>
      %mul3A_65 = arith.muli %min3A_50, %mul3A_64 : vector<16xi32>
      %mul3A_66 = arith.constant 4 : i32
      %mul3A_67 = vector.broadcast %mul3A_66 : i32 to vector<16xi32>
      %mul3A_68 = arith.muli %min3A_56, %mul3A_67 : vector<16xi32>
      %add3A_69 = arith.addi %mul3A_65, %mul3A_68 : vector<16xi32>
      %add3A_70 = arith.addi %add3A_69, %min3A_62 : vector<16xi32>
      %mul3A_71 = arith.constant 16 : i32
      %mul3A_72 = arith.muli %scan3A_32, %mul3A_71 : i32
      %swap3A = arith.index_cast %mul3A_72 : i32 to index
      %swap3A_73 = tpu.vector_load %arg6[%swap3A] {strides = array<i32>} : memref<5008xi32, #tpu.memory_space<vmem>>, vector<16xi32>,
      tpu.vector_store %arg6[%swap3A], %add3A_70 {strides = array<i32>} : memref<5008xi32, #tpu.memory_space<vmem>>, vector<16xi32>,
    }
    %scan3A_9 = arith.constant 313 : i32
    %scan3A_10 = arith.constant 0 : i32
    %scan3A_11 = arith.constant 0 : i32
    %scan3A_12 = arith.constant 39 : i32
    %scan3A_13 = arith.addi %scan3A_11, %scan3A_12 : i32
    %scan3A_14 = arith.constant 1 : i32
    scf.for %scan3A_32 = %scan3A_11 to %scan3A_13 step %scan3A_14  : i32 {
      %mul3A_33 = arith.constant 128 : i32
      %mul3A_34 = arith.muli %scan3A_32, %mul3A_33 : i32
      %dma_start3A_35 = tpu.memref_slice %arg6[%mul3A_34] : memref<5008xi32, #tpu.memory_space<vmem>> -> memref<128xi32, #tpu.memory_space<vmem>>
      %dma_start3A_36 = arith.constant 0 : i32
      %dma_start3A_37 = arith.constant 0 : i32
      %dma_start3A_38 = tpu.memref_slice %arg2[%dma_start3A_36, %dma_start3A_37] : memref<224x256xf32, #tpu.memory_space<hbm>> -> memref<224x256xf32, #tpu.memory_space<hbm>>
      tpu.enqueue_indirect_dma source(%dma_start3A_38 : memref<224x256xf32, #tpu.memory_space<hbm>>) target(%arg7 : memref<128x256xf32, #tpu.memory_space<vmem>>) offsets(%dma_start3A_35 : memref<128xi32, #tpu.memory_space<vmem>>) semaphore(%arg8 : memref<!tpu.dma_semaphore, #tpu.memory_space<semaphore_mem>>)
      %dma_wait3A_39 = tpu.memref_slice %arg6[%mul3A_34] : memref<5008xi32, #tpu.memory_space<vmem>> -> memref<128xi32, #tpu.memory_space<vmem>>
      %dma_wait3A_40 = arith.constant 0 : i32
      %dma_wait3A_41 = arith.constant 0 : i32
      %dma_wait3A_42 = tpu.memref_slice %arg2[%dma_wait3A_40, %dma_wait3A_41] : memref<224x256xf32, #tpu.memory_space<hbm>> -> memref<224x256xf32, #tpu.memory_space<hbm>>
      tpu.wait_indirect_dma semaphore(%arg8 : memref<!tpu.dma_semaphore, #tpu.memory_space<semaphore_mem>>) src(%dma_wait3A_42 : memref<224x256xf32, #tpu.memory_space<hbm>>) dst(%arg7 : memref<128x256xf32, #tpu.memory_space<vmem>>)
      %mul3A_43 = arith.constant 128 : i32
      %mul3A_44 = arith.muli %scan3A_32, %mul3A_43 : i32
      %add3A_45 = arith.addi %mul3A_2, %mul3A_44 : i32
      "tpu.region"() ({
        %run_scoped3A = tpu.sem_alloc : memref<!tpu.dma_semaphore, #tpu.memory_space<semaphore_mem>>
        %dma_start3A_46 = arith.constant 0 : i32
        %dma_start3A_47 = tpu.memref_slice %arg4[%add3A_45, %dma_start3A_46] : memref<160000x256xf32, #tpu.memory_space<hbm>> -> memref<128x256xf32, #tpu.memory_space<hbm>>
        %dma_start3A_48 = arith.constant 0 : i32
        %dma_start3A_49 = tpu.memref_slice %arg4[%add3A_45, %dma_start3A_48] : memref<160000x256xf32, #tpu.memory_space<hbm>> -> memref<128x256xf32, #tpu.memory_space<hbm>>
        tpu.enqueue_dma source(%arg7 : memref<128x256xf32, #tpu.memory_space<vmem>>) target(%dma_start3A_49 : memref<128x256xf32, #tpu.memory_space<hbm>>) target_semaphore(%run_scoped3A : memref<!tpu.dma_semaphore, #tpu.memory_space<semaphore_mem>>)
        %dma_wait3A_50 = arith.constant 0 : i32
        %dma_wait3A_51 = tpu.memref_slice %arg4[%add3A_45, %dma_wait3A_50] : memref<160000x256xf32, #tpu.memory_space<hbm>> -> memref<128x256xf32, #tpu.memory_space<hbm>>
        %dma_wait3A_52 = arith.constant 0 : i32
        %dma_wait3A_53 = tpu.memref_slice %arg4[%add3A_45, %dma_wait3A_52] : memref<160000x256xf32, #tpu.memory_space<hbm>> -> memref<128x256xf32, #tpu.memory_space<hbm>>
        tpu.wait_dma2 semaphore(%run_scoped3A : memref<!tpu.dma_semaphore, #tpu.memory_space<semaphore_mem>>) src(%arg7 : memref<128x256xf32, #tpu.memory_space<vmem>>) dst(%dma_wait3A_53 : memref<128x256xf32, #tpu.memory_space<hbm>>)
        tpu.yield
      }) : () -> ()
    }
    %scan3A_15 = arith.constant 39 : i32
    %dma_start3A = arith.constant 0 : i32
    %dma_start3A_16 = arith.constant 0 : i32
    %dma_start3A_17 = tpu.memref_slice %arg7[%dma_start3A, %dma_start3A_16] : memref<128x256xf32, #tpu.memory_space<vmem>> -> memref<8x256xf32, #tpu.memory_space<vmem>>
    %dma_start3A_18 = arith.constant 4992 : i32
    %dma_start3A_19 = tpu.memref_slice %arg6[%dma_start3A_18] : memref<5008xi32, #tpu.memory_space<vmem>> -> memref<8xi32, #tpu.memory_space<vmem>>
    %dma_start3A_20 = arith.constant 0 : i32
    %dma_start3A_21 = arith.constant 0 : i32
    %dma_start3A_22 = tpu.memref_slice %arg2[%dma_start3A_20, %dma_start3A_21] : memref<224x256xf32, #tpu.memory_space<hbm>> -> memref<224x256xf32, #tpu.memory_space<hbm>>
    tpu.enqueue_indirect_dma source(%dma_start3A_22 : memref<224x256xf32, #tpu.memory_space<hbm>>) target(%dma_start3A_17 : memref<8x256xf32, #tpu.memory_space<vmem>>) offsets(%dma_start3A_19 : memref<8xi32, #tpu.memory_space<vmem>>) semaphore(%arg8 : memref<!tpu.dma_semaphore, #tpu.memory_space<semaphore_mem>>)
    %dma_wait3A = arith.constant 0 : i32
    %dma_wait3A_23 = arith.constant 0 : i32
    %dma_wait3A_24 = tpu.memref_slice %arg7[%dma_wait3A, %dma_wait3A_23] : memref<128x256xf32, #tpu.memory_space<vmem>> -> memref<8x256xf32, #tpu.memory_space<vmem>>
    %dma_wait3A_25 = arith.constant 4992 : i32
    %dma_wait3A_26 = tpu.memref_slice %arg6[%dma_wait3A_25] : memref<5008xi32, #tpu.memory_space<vmem>> -> memref<8xi32, #tpu.memory_space<vmem>>
    %dma_wait3A_27 = arith.constant 0 : i32
    %dma_wait3A_28 = arith.constant 0 : i32
    %dma_wait3A_29 = tpu.memref_slice %arg2[%dma_wait3A_27, %dma_wait3A_28] : memref<224x256xf32, #tpu.memory_space<hbm>> -> memref<224x256xf32, #tpu.memory_space<hbm>>
    tpu.wait_indirect_dma semaphore(%arg8 : memref<!tpu.dma_semaphore, #tpu.memory_space<semaphore_mem>>) src(%dma_wait3A_29 : memref<224x256xf32, #tpu.memory_space<hbm>>) dst(%dma_wait3A_24 : memref<8x256xf32, #tpu.memory_space<vmem>>)
    %add3A_30 = arith.constant 4992 : i32
    %add3A_31 = arith.addi %mul3A_2, %add3A_30 : i32
    "tpu.region"() ({
      %run_scoped3A = tpu.sem_alloc : memref<!tpu.dma_semaphore, #tpu.memory_space<semaphore_mem>>
      %dma_start3A_32 = arith.constant 0 : i32
      %dma_start3A_33 = arith.constant 0 : i32
      %dma_start3A_34 = tpu.memref_slice %arg7[%dma_start3A_32, %dma_start3A_33] : memref<128x256xf32, #tpu.memory_space<vmem>> -> memref<8x256xf32, #tpu.memory_space<vmem>>
      %dma_start3A_35 = arith.constant 0 : i32
      %dma_start3A_36 = tpu.memref_slice %arg4[%add3A_31, %dma_start3A_35] : memref<160000x256xf32, #tpu.memory_space<hbm>> -> memref<8x256xf32, #tpu.memory_space<hbm>>
      %dma_start3A_37 = arith.constant 0 : i32
      %dma_start3A_38 = tpu.memref_slice %arg4[%add3A_31, %dma_start3A_37] : memref<160000x256xf32, #tpu.memory_space<hbm>> -> memref<8x256xf32, #tpu.memory_space<hbm>>
      %dma_start3A_39 = arith.constant 0 : i32
      %dma_start3A_40 = arith.constant 0 : i32
      %dma_start3A_41 = tpu.memref_slice %arg7[%dma_start3A_39, %dma_start3A_40] : memref<128x256xf32, #tpu.memory_space<vmem>> -> memref<8x256xf32, #tpu.memory_space<vmem>>
      tpu.enqueue_dma source(%dma_start3A_41 : memref<8x256xf32, #tpu.memory_space<vmem>>) target(%dma_start3A_38 : memref<8x256xf32, #tpu.memory_space<hbm>>) target_semaphore(%run_scoped3A : memref<!tpu.dma_semaphore, #tpu.memory_space<semaphore_mem>>)
      %dma_wait3A_42 = arith.constant 0 : i32
      %dma_wait3A_43 = arith.constant 0 : i32
      %dma_wait3A_44 = tpu.memref_slice %arg7[%dma_wait3A_42, %dma_wait3A_43] : memref<128x256xf32, #tpu.memory_space<vmem>> -> memref<8x256xf32, #tpu.memory_space<vmem>>
      %dma_wait3A_45 = arith.constant 0 : i32
      %dma_wait3A_46 = tpu.memref_slice %arg4[%add3A_31, %dma_wait3A_45] : memref<160000x256xf32, #tpu.memory_space<hbm>> -> memref<8x256xf32, #tpu.memory_space<hbm>>
      %dma_wait3A_47 = arith.constant 0 : i32
      %dma_wait3A_48 = tpu.memref_slice %arg4[%add3A_31, %dma_wait3A_47] : memref<160000x256xf32, #tpu.memory_space<hbm>> -> memref<8x256xf32, #tpu.memory_space<hbm>>
      %dma_wait3A_49 = arith.constant 0 : i32
      %dma_wait3A_50 = arith.constant 0 : i32
      %dma_wait3A_51 = tpu.memref_slice %arg7[%dma_wait3A_49, %dma_wait3A_50] : memref<128x256xf32, #tpu.memory_space<vmem>> -> memref<8x256xf32, #tpu.memory_space<vmem>>
      tpu.wait_dma2 semaphore(%run_scoped3A : memref<!tpu.dma_semaphore, #tpu.memory_space<semaphore_mem>>) src(%dma_wait3A_51 : memref<8x256xf32, #tpu.memory_space<vmem>>) dst(%dma_wait3A_48 : memref<8x256xf32, #tpu.memory_space<hbm>>)
      tpu.yield
    }) : () -> ()
    return
  }
}

module attributes {stable_mosaic.version = 14 : i64} {
  func.func @_combine_tables_body(%arg0: memref<7x256xf32, #tpu.memory_space<vmem>>, %arg1: memref<8x256xf32, #tpu.memory_space<vmem>>, %arg2: memref<4x256xf32, #tpu.memory_space<vmem>>, %arg3: memref<224x256xf32, #tpu.memory_space<vmem>>) attributes {dimension_semantics = [], scalar_prefetch = 0 : i64, scratch_operands = 0 : i64, tpu.core_type = #tpu.core_type<tc>} {
    %iota3A = tpu.iota {dimensions = array<i32: 0>} : vector<224x7xi32>
    %iota3A_0 = tpu.iota {dimensions = array<i32: 1>} : vector<224x7xi32>
    %jit3A = arith.constant 32 : i32
    %div3A = vector.broadcast %jit3A : i32 to vector<224x7xi32>
    %div3A_1 = arith.divsi %iota3A, %div3A : vector<224x7xi32>
    %sign3A = arith.constant 0 : i32
    %sign3A_2 = vector.broadcast %sign3A : i32 to vector<224x7xi32>
    %sign3A_3 = arith.cmpi sgt, %iota3A, %sign3A_2 : vector<224x7xi32>
    %sign3A_4 = arith.extui %sign3A_3 : vector<224x7xi1> to vector<224x7xi32>
    %sign3A_5 = arith.constant 0 : i32
    %sign3A_6 = vector.broadcast %sign3A_5 : i32 to vector<224x7xi32>
    %sign3A_7 = arith.cmpi slt, %iota3A, %sign3A_6 : vector<224x7xi32>
    %sign3A_8 = arith.extui %sign3A_7 : vector<224x7xi1> to vector<224x7xi32>
    %sign3A_9 = arith.subi %sign3A_4, %sign3A_8 : vector<224x7xi32>
    %sign3A_10 = arith.constant 0 : i32
    %sign3A_11 = arith.cmpi sgt, %jit3A, %sign3A_10 : i32
    %sign3A_12 = arith.extui %sign3A_11 : i1 to i32
    %sign3A_13 = arith.constant 0 : i32
    %sign3A_14 = arith.cmpi slt, %jit3A, %sign3A_13 : i32
    %sign3A_15 = arith.extui %sign3A_14 : i1 to i32
    %sign3A_16 = arith.subi %sign3A_12, %sign3A_15 : i32
    %ne3A = vector.broadcast %sign3A_16 : i32 to vector<224x7xi32>
    %ne3A_17 = arith.cmpi ne, %sign3A_9, %ne3A : vector<224x7xi32>
    %rem3A = vector.broadcast %jit3A : i32 to vector<224x7xi32>
    %rem3A_18 = arith.remsi %iota3A, %rem3A : vector<224x7xi32>
    %ne3A_19 = arith.constant 0 : i32
    %ne3A_20 = vector.broadcast %ne3A_19 : i32 to vector<224x7xi32>
    %ne3A_21 = arith.cmpi ne, %rem3A_18, %ne3A_20 : vector<224x7xi32>
    %and3A = arith.andi %ne3A_17, %ne3A_21 : vector<224x7xi1>
    %sub3A = arith.constant 1 : i32
    %sub3A_22 = vector.broadcast %sub3A : i32 to vector<224x7xi32>
    %sub3A_23 = arith.subi %div3A_1, %sub3A_22 : vector<224x7xi32>
    %select_n3A = arith.select %and3A, %sub3A_23, %div3A_1 : vector<224x7xi1>, vector<224x7xi32>
    %eq3A = arith.cmpi eq, %select_n3A, %iota3A_0 : vector<224x7xi32>
    %convert_element_type3A = arith.extui %eq3A : vector<224x7xi1> to vector<224x7xi32>
    %convert_element_type3A_24 = arith.sitofp %convert_element_type3A : vector<224x7xi32> to vector<224x7xf32>
    %get3A = arith.constant 0 : index
    %get3A_25 = arith.constant 0 : index
    %get3A_26 = vector.load %arg0[%get3A, %get3A_25] : memref<7x256xf32, #tpu.memory_space<vmem>>, vector<7x256xf32>
    %dot_general3A = arith.constant dense<0.000000e+00> : vector<224x256xf32>
    %dot_general3A_27 = tpu.matmul %convert_element_type3A_24, %get3A_26, %dot_general3A {dimension_numbers = #tpu.dot_dimension_numbers<[1], [0], [0], [1], [0, 0, 1, 1], [], []>, precision = #tpu.contract_precision<fp32>, transpose_lhs_hint = false} : vector<224x7xf32>, vector<7x256xf32>, vector<224x256xf32> -> vector<224x256xf32>
    %iota3A_28 = tpu.iota {dimensions = array<i32: 0>} : vector<224x8xi32>
    %iota3A_29 = tpu.iota {dimensions = array<i32: 1>} : vector<224x8xi32>
    %jit3A_30 = arith.constant 4 : i32
    %div3A_31 = vector.broadcast %jit3A_30 : i32 to vector<224x8xi32>
    %div3A_32 = arith.divsi %iota3A_28, %div3A_31 : vector<224x8xi32>
    %sign3A_33 = arith.constant 0 : i32
    %sign3A_34 = vector.broadcast %sign3A_33 : i32 to vector<224x8xi32>
    %sign3A_35 = arith.cmpi sgt, %iota3A_28, %sign3A_34 : vector<224x8xi32>
    %sign3A_36 = arith.extui %sign3A_35 : vector<224x8xi1> to vector<224x8xi32>
    %sign3A_37 = arith.constant 0 : i32
    %sign3A_38 = vector.broadcast %sign3A_37 : i32 to vector<224x8xi32>
    %sign3A_39 = arith.cmpi slt, %iota3A_28, %sign3A_38 : vector<224x8xi32>
    %sign3A_40 = arith.extui %sign3A_39 : vector<224x8xi1> to vector<224x8xi32>
    %sign3A_41 = arith.subi %sign3A_36, %sign3A_40 : vector<224x8xi32>
    %sign3A_42 = arith.constant 0 : i32
    %sign3A_43 = arith.cmpi sgt, %jit3A_30, %sign3A_42 : i32
    %sign3A_44 = arith.extui %sign3A_43 : i1 to i32
    %sign3A_45 = arith.constant 0 : i32
    %sign3A_46 = arith.cmpi slt, %jit3A_30, %sign3A_45 : i32
    %sign3A_47 = arith.extui %sign3A_46 : i1 to i32
    %sign3A_48 = arith.subi %sign3A_44, %sign3A_47 : i32
    %ne3A_49 = vector.broadcast %sign3A_48 : i32 to vector<224x8xi32>
    %ne3A_50 = arith.cmpi ne, %sign3A_41, %ne3A_49 : vector<224x8xi32>
    %rem3A_51 = vector.broadcast %jit3A_30 : i32 to vector<224x8xi32>
    %rem3A_52 = arith.remsi %iota3A_28, %rem3A_51 : vector<224x8xi32>
    %ne3A_53 = arith.constant 0 : i32
    %ne3A_54 = vector.broadcast %ne3A_53 : i32 to vector<224x8xi32>
    %ne3A_55 = arith.cmpi ne, %rem3A_52, %ne3A_54 : vector<224x8xi32>
    %and3A_56 = arith.andi %ne3A_50, %ne3A_55 : vector<224x8xi1>
    %sub3A_57 = arith.constant 1 : i32
    %sub3A_58 = vector.broadcast %sub3A_57 : i32 to vector<224x8xi32>
    %sub3A_59 = arith.subi %div3A_32, %sub3A_58 : vector<224x8xi32>
    %select_n3A_60 = arith.select %and3A_56, %sub3A_59, %div3A_32 : vector<224x8xi1>, vector<224x8xi32>
    %jit3A_61 = arith.constant 8 : i32
    %eq3A_62 = arith.constant 0 : i32
    %eq3A_63 = arith.cmpi eq, %jit3A_61, %eq3A_62 : i32
    %jit3A_64 = arith.constant 1 : i32
    %select_n3A_65 = arith.select %eq3A_63, %jit3A_64, %jit3A_61 : i32
    %rem3A_66 = vector.broadcast %select_n3A_65 : i32 to vector<224x8xi32>
    %rem3A_67 = arith.remsi %select_n3A_60, %rem3A_66 : vector<224x8xi32>
    %ne3A_68 = arith.constant 0 : i32
    %ne3A_69 = vector.broadcast %ne3A_68 : i32 to vector<224x8xi32>
    %ne3A_70 = arith.cmpi ne, %rem3A_67, %ne3A_69 : vector<224x8xi32>
    %lt3A = arith.constant 0 : i32
    %lt3A_71 = vector.broadcast %lt3A : i32 to vector<224x8xi32>
    %lt3A_72 = arith.cmpi slt, %rem3A_67, %lt3A_71 : vector<224x8xi32>
    %lt3A_73 = arith.constant 0 : i32
    %lt3A_74 = arith.cmpi slt, %select_n3A_65, %lt3A_73 : i32
    %ne3A_75 = vector.broadcast %lt3A_74 : i1 to vector<224x8xi1>
    %ne3A_76 = vector.broadcast %ne3A_75 : vector<224x8xi1> to vector<224x8xi1>
    %ne3A_77 = arith.xori %lt3A_72, %ne3A_76 : vector<224x8xi1>
    %and3A_78 = arith.andi %ne3A_77, %ne3A_70 : vector<224x8xi1>
    %add3A = vector.broadcast %select_n3A_65 : i32 to vector<224x8xi32>
    %add3A_79 = arith.addi %rem3A_67, %add3A : vector<224x8xi32>
    %select_n3A_80 = arith.select %and3A_78, %add3A_79, %rem3A_67 : vector<224x8xi1>, vector<224x8xi32>
    %eq3A_81 = arith.cmpi eq, %select_n3A_80, %iota3A_29 : vector<224x8xi32>
    %convert_element_type3A_82 = arith.extui %eq3A_81 : vector<224x8xi1> to vector<224x8xi32>
    %convert_element_type3A_83 = arith.sitofp %convert_element_type3A_82 : vector<224x8xi32> to vector<224x8xf32>
    %get3A_84 = arith.constant 0 : index
    %get3A_85 = arith.constant 0 : index
    %get3A_86 = vector.load %arg1[%get3A_84, %get3A_85] : memref<8x256xf32, #tpu.memory_space<vmem>>, vector<8x256xf32>
    %dot_general3A_87 = arith.constant dense<0.000000e+00> : vector<224x256xf32>
    %dot_general3A_88 = tpu.matmul %convert_element_type3A_83, %get3A_86, %dot_general3A_87 {dimension_numbers = #tpu.dot_dimension_numbers<[1], [0], [0], [1], [0, 0, 1, 1], [], []>, precision = #tpu.contract_precision<fp32>, transpose_lhs_hint = false} : vector<224x8xf32>, vector<8x256xf32>, vector<224x256xf32> -> vector<224x256xf32>
    %add3A_89 = arith.addf %dot_general3A_27, %dot_general3A_88 : vector<224x256xf32>
    %iota3A_90 = tpu.iota {dimensions = array<i32: 0>} : vector<224x4xi32>
    %iota3A_91 = tpu.iota {dimensions = array<i32: 1>} : vector<224x4xi32>
    %jit3A_92 = arith.constant 4 : i32
    %eq3A_93 = arith.constant 0 : i32
    %eq3A_94 = arith.cmpi eq, %jit3A_92, %eq3A_93 : i32
    %jit3A_95 = arith.constant 1 : i32
    %select_n3A_96 = arith.select %eq3A_94, %jit3A_95, %jit3A_92 : i32
    %rem3A_97 = vector.broadcast %select_n3A_96 : i32 to vector<224x4xi32>
    %rem3A_98 = arith.remsi %iota3A_90, %rem3A_97 : vector<224x4xi32>
    %ne3A_99 = arith.constant 0 : i32
    %ne3A_100 = vector.broadcast %ne3A_99 : i32 to vector<224x4xi32>
    %ne3A_101 = arith.cmpi ne, %rem3A_98, %ne3A_100 : vector<224x4xi32>
    %lt3A_102 = arith.constant 0 : i32
    %lt3A_103 = vector.broadcast %lt3A_102 : i32 to vector<224x4xi32>
    %lt3A_104 = arith.cmpi slt, %rem3A_98, %lt3A_103 : vector<224x4xi32>
    %lt3A_105 = arith.constant 0 : i32
    %lt3A_106 = arith.cmpi slt, %select_n3A_96, %lt3A_105 : i32
    %ne3A_107 = vector.broadcast %lt3A_106 : i1 to vector<224x4xi1>
    %ne3A_108 = vector.broadcast %ne3A_107 : vector<224x4xi1> to vector<224x4xi1>
    %ne3A_109 = arith.xori %lt3A_104, %ne3A_108 : vector<224x4xi1>
    %and3A_110 = arith.andi %ne3A_109, %ne3A_101 : vector<224x4xi1>
    %add3A_111 = vector.broadcast %select_n3A_96 : i32 to vector<224x4xi32>
    %add3A_112 = arith.addi %rem3A_98, %add3A_111 : vector<224x4xi32>
    %select_n3A_113 = arith.select %and3A_110, %add3A_112, %rem3A_98 : vector<224x4xi1>, vector<224x4xi32>
    %eq3A_114 = arith.cmpi eq, %select_n3A_113, %iota3A_91 : vector<224x4xi32>
    %convert_element_type3A_115 = arith.extui %eq3A_114 : vector<224x4xi1> to vector<224x4xi32>
    %convert_element_type3A_116 = arith.sitofp %convert_element_type3A_115 : vector<224x4xi32> to vector<224x4xf32>
    %get3A_117 = arith.constant 0 : index
    %get3A_118 = arith.constant 0 : index
    %get3A_119 = vector.load %arg2[%get3A_117, %get3A_118] : memref<4x256xf32, #tpu.memory_space<vmem>>, vector<4x256xf32>
    %dot_general3A_120 = arith.constant dense<0.000000e+00> : vector<224x256xf32>
    %dot_general3A_121 = tpu.matmul %convert_element_type3A_116, %get3A_119, %dot_general3A_120 {dimension_numbers = #tpu.dot_dimension_numbers<[1], [0], [0], [1], [0, 0, 1, 1], [], []>, precision = #tpu.contract_precision<fp32>, transpose_lhs_hint = false} : vector<224x4xf32>, vector<4x256xf32>, vector<224x256xf32> -> vector<224x256xf32>
    %add3A_122 = arith.addf %add3A_89, %dot_general3A_121 : vector<224x256xf32>
    %swap3A = arith.constant 0 : index
    %swap3A_123 = arith.constant 0 : index
    %swap3A_124 = vector.load %arg3[%swap3A, %swap3A_123] : memref<224x256xf32, #tpu.memory_space<vmem>>, vector<224x256xf32>
    tpu.vector_store %arg3[%swap3A, %swap3A_123], %add3A_122 {strides = array<i32>} : memref<224x256xf32, #tpu.memory_space<vmem>>, vector<224x256xf32>,
    return
  }
}

</mosaic_0001>

<sc_bundles>
// kernel: kernel.4.cloned.1.call-start
scs
__scs_entry_jumppad:
0x0: {  	(pc) =	sbr.rel $0x88, $3  }
0x1: {  	(tag) =	ssettag $0x0;
	lr =	simm.s32 $0x1  }
0x2: {  	[smem:$0x3F9D] =	sst lr;
	_ =	strace $0xD0000000  }
0x3: {  	_ = 	snop  }
0x4: {  	_ = 	snop  }
0x5: {  	_ = 	snop  }
0x6: {  	_ = 	snop  }
0x7: {  	_ = 	snop  }
__scs_overlays_trampoline_lowered:
0x8: {  	[smem:$0x3FAC] =	sst s0  }
0x9: {  	[smem:$0x3FAD] =	sst s1  }
0xa: {  	[smem:$0x3FAE] =	sst s2  }
0xb: {  	[smem:$0x3FAF] =	sst s3  }
0xc: {  	[smem:$0x3FB0] =	sst s4  }
0xd: {  	[smem:$0x3FB1] =	sst s5  }
0xe: {  	[smem:$0x3FB2] =	sst s6  }
0xf: {  	[smem:$0x3FB3] =	sst s7  }
0x10: {  	[smem:$0x3FB4] =	sst s8  }
0x11: {  	[smem:$0x3FB5] =	sst s9;
	s0 =	simm.s32 @!p0 $0x0  }
0x12: {  	s1 =	sld [smem:$0x3F9B];
	s0 =	simm.s32 @p0 $0x1  }
0x13: {  	[smem:$0x3FB6] =	sst s0;
	s0 =	simm.s32 @!p1 $0x0  }
0x14: {  	s2 =	sld [smem:$0x3F9A];
	s0 =	simm.s32 @p1 $0x1  }
0x15: {  	[smem:$0x3FB7] =	sst s0;
	s0 =	simm.s32 @!p2 $0x0  }
0x16: {  	s3 =	sld [smem:$0x3FDB];
	s0 =	simm.s32 @p2 $0x1  }
0x17: {  	s4 =	simm.s32 $0x1BF5;
	[smem:$0x3FB9] =	sst s0  }
0x18: {  	s0 =	sld [smem:$0x3F9C];
	_ =	swait.ge [sflag:s4], $0x0  }
0x19: {  	s7 =	sld [smem:$0x3F9D]  }
0x1a: {  	s8 =	sadd.s32 $0xFFFFE003, lr  }
0x1b: {  	s9 =	sadd.s32 $0xFFFFFEF7, lr;
	s5 =	simm.s32 $0xFFFFFFFF;
	p2 =	slt.u32 s8, $0xFFFFF086  }
0x1c: {  	p1 =	slt.u32 s9, $0xF7A;
	s5 =	simm.s32 @!p2 $0x0  }
0x1d: {  	s5 =	simm.s32 @p1 $0x1;
	p0 =	seq.s32 s7, s2  }
0x1e: {  	s7 =	smul.u32 @!p0 $0xF7A, s2;
	p2 =	seq.s32 @!p0 s5, $0x0  }
0x1f: {  	s9 =	smul.u32 $0xF7A, s1;
	s8 =	simm.s32 @!p0 $0x1BF5;
	p2 =	por !p2, p0  }
0x20: {  	[sflag:s8] =	ssyncset.s32 @!p0 $0xFFFFF086;
	s6 =	sadd.s32 @!p0 s3, s7;
	s7 =	simm.s32 @!p0 $0x108  }
0x21: {  	s3 =	sadd.s32 s3, s9;
	s6 =	sadd.s32 @!p0 $0x88, s6;
	s7 =	simm.s32 @p2 $0x1082  }
0x22: {  	[simem:s7], [sflag:s8] =	dma.local @!p0 [hbm:s6], $0xF7A  }
0x23: {  	s9 =	sor.u32 $0xD0000000, s2;
	s6 =	simm.s32 $0x108;
	_ =	swait.ge @!p0 [sflag:s8], $0x0  }
0x24: {  	s3 =	sadd.s32 $0x88, s3;
	s6 =	simm.s32 @!p1 $0x1082;
	[sflag:s4] =	ssyncset.s32 $0xFFFFF086  }
0x25: {  	[simem:s6], [sflag:s4] =	dma.local [hbm:s3], $0xF7A  }
0x26: {  	[smem:$0x3F9D] =	sst s1;
	(tag) =	ssettag s2;
	_ =	strace s9  }
0x27: {  	s1 =	sld [smem:$0x3FAD]  }
0x28: {  	s2 =	sld [smem:$0x3FAE]  }
0x29: {  	s4 =	sld [smem:$0x3FB0]  }
0x2a: {  	p0 =	seq.s32 s5, $0x0;
	s5 =	sld [smem:$0x3FB1]  }
0x2b: {  	s6 =	sld [smem:$0x3FB2]  }
0x2c: {  	s7 =	sld [smem:$0x3FB3]  }
0x2d: {  	s3 =	simm.s32 $0x108;
	s8 =	sld [smem:$0x3FB4]  }
0x2e: {  	s3 =	simm.s32 @!p0 $0x1082;
	s9 =	sld [smem:$0x3FB5]  }
0x2f: {  	lr =	sadd.s32 s0, s3;
	s0 =	sld [smem:$0x3FAC]  }
0x30: {  	s3 =	sld [smem:$0x3FAF]  }
0x31: {  	[smem:$0x3FB8] =	sst s10  }
0x32: {  	s10 =	sld [smem:$0x3FB6];
	_ =	sdelay $0x3  }
0x33: {  	p0 =	seq.s32 s10, $0x1;
	s10 =	sld [smem:$0x3FB8];
	_ =	sdelay $0x3  }
0x34: {  	[smem:$0x3FB8] =	sst s10  }
0x35: {  	s10 =	sld [smem:$0x3FB7];
	_ =	sdelay $0x3  }
0x36: {  	p1 =	seq.s32 s10, $0x1;
	s10 =	sld [smem:$0x3FB8];
	_ =	sdelay $0x3  }
0x37: {  	[smem:$0x3FB8] =	sst s10  }
0x38: {  	s10 =	sld [smem:$0x3FB9]  }
0x39: {  	_ = 	snop;
	(pc) =	sbr.ind lr, $3  }
0x3a: {  	_ = 	snop  }
0x3b: {  	_ = 	snop  }
0x3c: {  	p2 =	seq.s32 s10, $0x1;
	s10 =	sld [smem:$0x3FB8]  }
0x3d: {  	_ =	shalt  }
0x3e: {  	_ =	shalt  }
0x3f: {  	_ =	shalt  }
0x40: {  	_ =	shalt  }
0x41: {  	_ =	shalt  }
0x42: {  	_ =	shalt  }
0x43: {  	_ =	shalt  }
0x44: {  	_ =	shalt  }
0x45: {  	_ =	shalt  }
0x46: {  	_ =	shalt  }
0x47: {  	_ =	shalt  }
0x48: {  	_ =	shalt  }
0x49: {  	_ =	shalt  }
0x4a: {  	_ =	shalt  }
0x4b: {  	_ =	shalt  }
0x4c: {  	_ =	shalt  }
0x4d: {  	_ =	shalt  }
0x4e: {  	_ =	shalt  }
0x4f: {  	_ =	shalt  }
0x50: {  	_ =	shalt  }
0x51: {  	_ =	shalt  }
0x52: {  	_ =	shalt  }
0x53: {  	_ =	shalt  }
0x54: {  	_ =	shalt  }
0x55: {  	_ =	shalt  }
0x56: {  	_ =	shalt  }
0x57: {  	_ =	shalt  }
0x58: {  	_ =	shalt  }
0x59: {  	_ =	shalt  }
0x5a: {  	_ =	shalt  }
0x5b: {  	_ =	shalt  }
0x5c: {  	_ =	shalt  }
0x5d: {  	_ =	shalt  }
0x5e: {  	_ =	shalt  }
0x5f: {  	_ =	shalt  }
0x60: {  	_ =	shalt  }
0x61: {  	_ =	shalt  }
0x62: {  	_ =	shalt  }
0x63: {  	_ =	shalt  }
0x64: {  	_ =	shalt  }
0x65: {  	_ =	shalt  }
0x66: {  	_ =	shalt  }
0x67: {  	_ =	shalt  }
0x68: {  	_ =	shalt  }
0x69: {  	_ =	shalt  }
0x6a: {  	_ =	shalt  }
0x6b: {  	_ =	shalt  }
0x6c: {  	_ =	shalt  }
0x6d: {  	_ =	shalt  }
0x6e: {  	_ =	shalt  }
0x6f: {  	_ =	shalt  }
0x70: {  	_ =	shalt  }
0x71: {  	_ =	shalt  }
0x72: {  	_ =	shalt  }
0x73: {  	_ =	shalt  }
0x74: {  	_ =	shalt  }
0x75: {  	_ =	shalt  }
0x76: {  	_ =	shalt  }
0x77: {  	_ =	shalt  }
0x78: {  	_ =	shalt  }
0x79: {  	_ =	shalt  }
0x7a: {  	_ =	shalt  }
0x7b: {  	_ =	shalt  }
0x7c: {  	_ =	shalt  }
0x7d: {  	_ =	shalt  }
0x7e: {  	_ =	shalt  }
0x7f: {  	_ =	shalt  }
0x80: {  	_ =	shalt  }
0x81: {  	_ =	shalt  }
0x82: {  	_ =	shalt  }
0x83: {  	_ =	shalt  }
0x84: {  	_ =	shalt  }
0x85: {  	_ =	shalt  }
0x86: {  	_ =	shalt  }
0x87: {  	_ =	shalt  }
.Lfunc_end0:
.L_simem_size_0:
called_computation_lowered:
.L_overlay_start_0:
0x88: {  	s2 =	sld [smem:$0x3FD9]  }
0x89: {  	s3 =	sld [smem:$0x3FFE];
	_ =	sdelay $0x1  }
0x8a: {  	s1 =	srdreg.scid  }
0x8b: {  	s0 =	sand.u32 $0x1, s1  }
0x8c: {  	s17 =	sshll.u32 s0, $0xA;
	s2 =	sadd.s32 s3, s2  }
0x8d: {  	s2 =	sadd.s32 s2, s17  }
0x8e: {  	[smem:$0x3FC4] =	sst s2  }
0x8f: {  	_ = 	snop  }
0x90: {  	s2 =	sld [smem:$0x3FD0];
	(tm) =	ssettm $0x1  }
0x91: {  	s18 =	sld [smem:$0x3FFB];
	_ =	sdelay $0x3  }
0x92: {  	_ =	strace s18  }
0x93: {  	s3 =	sld [smem:$0x3FFC];
	_ =	sdelay $0x3  }
0x94: {  	_ =	strace s3  }
0x95: {  	s3 =	sld [smem:$0x3FFD];
	_ =	sdelay $0x3  }
0x96: {  	_ =	strace s3  }
0x97: {  	_ =	strace $0x8FFFFFFF  }
0x98: {  	s19 =	sld [smem:$0x3FDB];
	_ =	sdelay $0x1  }
0x99: {  	s4 =	simm.s32 $_scs_section_size  }
0x9a: {  	s5 =	simm.s32 $_size__tile_overlayer_lowered;
	s6 =	simm.s32 $_tile_overlayer_lowered  }
0x9b: {  	s22 =	simm.s32 $0x1BFF;
	s21 =	sshll.u32 s6, $0x1;
	s3 =	sadd.s32 s4, s19  }
0x9c: {  	s7 =	simm.s32 $0x0;
	s20 =	sshll.u32 s5, $0x1;
	s5 =	sadd.s32 s21, s3  }
0x9d: {  	[timem:s7], [sflag:s22] =	dma.local [hbm:s5], s20  }
0x9e: {  	_ =	swait.ge [sflag:s22], s20  }
0x9f: {  	s4 =	ssub.s32 $0x0, s20;
	[sflag:s22] =	ssyncset.done $0x0  }
0xa0: {  	[sflag:s22] =	ssyncadd.s32 s4;
	_ =	sdelay $0x1  }
0xa1: {  	s23 =	simm.s32 $0x1B8B  }
0xa2: {  	_ =	swait.ge [sflag:s23], $0x1  }
0xa3: {  	[sflag:s23] =	ssyncset.done $0x0  }
0xa4: {  	s25 =	simm.s32 $0x1B8E;
	s24 =	sld [smem:$0x3FFE];
	[sflag:s23] =	ssyncadd.s32 $0xFFFFFFFF  }
0xa5: {  	s26 =	simm.s32 $execute0_lowered;
	[smem:$0x3FD2] =	sst s25  }
0xa6: {  	s5 =	sshll.u32 s26, $0x1;
	_ =	strace $0x80000046;
	[dreg:$0x1] =	wrdreg $0xFFFFFFFF  }
0xa7: {  	s28 =	simm.s32 $_size_execute0_lowered;
	s3 =	sadd.s32 s3, s5;
	[dreg:$0x0] =	wrdreg $0x0  }
0xa8: {  	s5 =	sshll.u32 s28, $0x1;
	[dreg:$0x2] =	wrdreg s3  }
0xa9: {  	[dreg:$0x3] =	wrdreg s5  }
0xaa: {  	[dreg:$0x4] =	wrdreg $0xC0  }
0xab: {  	_ =	task [dreg:s7], $0x5FFFF  }
0xac: {  	[dreg:$0x1] =	wrdreg $0xFFFFFFFF  }
0xad: {  	[dreg:$0x0] =	wrdreg $0x60  }
0xae: {  	[dreg:$0x2] =	wrdreg s24  }
0xaf: {  	[dreg:$0x3] =	wrdreg s2  }
0xb0: {  	[dreg:$0x4] =	wrdreg $0x9  }
0xb1: {  	_ =	task.clear_ibuf [dreg:s7], $0x5FFFF;
	_ =	strace $0x90000046  }
0xb2: {  	s29 =	simm.s32 $0x9;
	_ =	strace $0x80000048  }
0xb3: {  	_ =	swait.ge [sflag:s29], $0x1  }
0xb4: {  	[sflag:s29] =	ssyncadd.s32 $0xFFFFFFFF  }
0xb5: {  	_ =	strace $0x90000048  }
0xb6: {  	_ =	sfence  }
0xb7: {  	s30 =	sld [smem:$0x0];
	_ =	sdelay $0x2  }
0xb8: {  	s31 =	sshll.u32 s1, $0xD;
	s1 =	sshrl.u32 s1, $0x2  }
0xb9: {  	s3 =	sand.u32 $0x4000, s31;
	s1 =	sadd.s32 s1, s30  }
0xba: {  	s0 =	sor.u32 s3, s0;
	s1 =	sshll.u32 s1, $0x11  }
0xbb: {  	s0 =	sor.u32 s1, s0  }
0xbc: {  	s0 =	sadd.s32 $0x8F2B, s0  }
0xbd: {  	[sflag:s0] =	ssyncadd.remote.s32 $0x1  }
0xbe: {  	_ =	sfence.sel $0xFFFF  }
0xbf: {  	[dreg:$0x0] =	wrdreg $0xFFFFFFFF;
	(pc) =	sbr.abs _section_cstart, $3  }
0xc0: {  	[dreg:$0x1] =	wrdreg $0xFFFFFFFF  }
0xc1: {  	_ =	task.clear_ibuf [dreg:s7], $0x2FFFF;
	_ =	strace $0x9FFFFFFF  }
0xc2: {  	(tm) =	ssettm $0x7FFFFFFF  }
0xc3: {  	_ =	shalt  }
tec
execute0_lowered:
.L_overlay_start_1:
0x0: {  	(tag) =	ssettag $0x1  }
0x1: {  	s1 =	srdreg.scid;
	s4 =	rddreg [dreg:$0x0]  }
0x2: {  	s0 =	stileid.u32;
	s7 =	rddreg [dreg:$0x1];
	s2 =	simm.s32 $0x0  }
0x3: {  	s11 =	simm.s32 $0x5F00;
	s12 =	simm.s32 $0x6700;
	s13 =	simm.s32 $0x6F00  }
0x4: {  	s14 =	simm.s32 $0x7700;
	s15 =	simm.s32 $0x7F00;
	s16 =	simm.s32 $0x8700  }
0x5: {  	s17 =	simm.s32 $0x8F00;
	s18 =	simm.s32 $0x9700;
	s19 =	simm.s32 $0x9F00  }
0x6: {  	s20 =	simm.s32 $0xA700;
	s21 =	simm.s32 $0xAF00;
	s22 =	simm.s32 $0xB700  }
0x7: {  	s23 =	simm.s32 $0xBF00;
	s24 =	simm.s32 $0xC700;
	s25 =	simm.s32 $0x1  }
0x8: {  	s5 =	sand.u32 $0x1, s1;
	s29 =	sshll.u32 s0, $0x1;
	s9 =	smul.u32 $0x271000, s0  }
0x9: {  	s3 =	sor.u32 s5, s29;
	s10 =	ssub.s32 $0x2, s5;
	s5 =	smul.u32 $0x138800, s5  }
0xa: {  	s26 =	simm.s32 $0x0;
	[smem:$0x7FF] =	sst s2;
	s6 =	smul.u32 $0x753, s3  }
0xb: {  	s1 =	rddreg [dreg:$0x2];
	_ =	strace $0x80000047;
	s8 =	smul.u32 $0x138800, s3  }
0xc: {  	s3 =	sadd.s32 $0xF800, s4;
	s30 =	sshrl.u32 s10, $0x1;
	s9 =	sadd.s32 s5, s9  }
0xd: {  	v5 =	vlaneseq.u32;
	s4 =	sadd.s32 s6, s4;
	s8 =	sshrl.u32 s8, $0x3;
	s6 =	ssub.s32 s10, s30  }
0xe: {  	vm0 =	vmmov $0xffff;
	v0 =	vmul.u32 $0x3, v5;
	s31 =	sshrl.u32 s9, $0x3;
	s9 =	simm.s32 $0x4F00;
	s10 =	simm.s32 $0x5700  }
0xf: {  	v3 =	vand.u32 $0x7, v5;
	v4 =	vshrl.u32 v5, $0x3;
	v5 =	vor.u32 $0x8, v5;
	s8 =	sadd.s32 s7, s8;
	s4 =	sadd.s32 $0xC00, s4;
	s6 =	smax.u32 s6, $0x1  }
0x10: {  	v4 =	vmul.u32 $0x8, v4;
	v1 =	vadd.s32 $0x1, v0;
	v2 =	vadd.s32 $0x2, v0;
	s7 =	sadd.s32 s31, s7;
	s5 =	sadd.s32 $0x27000, s8;
	s8 =	simm.s32 $0x2  }
.LBB2_1:
0x11: {  	v6 =	vadd.s32 s2, v0  }
0x12: {  	[tilespmem:s2], [sflag:$0x2] =	stream.linear.gather [hbm4b:s4+s2], $0x3A98, $0x38;
	v7 =	vadd.s32 s2, v1;
	[tilespmem:$0xCF00] =	vst v63  }
0x13: {  	_ =	swait.ge [sflag:s8], $0x3A98  }
0x14: {  	v8 =	vadd.s32 s2, v2;
	[sflag:s8] =	ssyncset.done $0x0  }
0x15: {  	[sflag:s8] =	ssyncadd.s32 $0xFFFFC568  }
0x16: {  	v6 =	vld.idx.msk [tilespmem:v6+s2+$0x0], $0xffff  }
0x17: {  	v7 =	vld.idx.msk [tilespmem:v7+s2+$0x0], $0xffff;
	_ =	sdelay $0x1  }
0x18: {  	v8 =	vld.idx.msk [tilespmem:v8+s2+$0x0], $0xffff;
	_ =	sdelay $0x1  }
0x19: {  	s28 =	simm.s32 $0x30  }
0x1a: {  	v9 =	vadd.s32 s28, v0;
	vm1 =	vgt.s32 v6, $0x0;
	vm2 =	vgt.s32 v7, $0x0  }
0x1b: {  	v10 =	vadd.s32 s28, v1;
	v6 =	vnsel vm1, $0x0, v6;
	v7 =	vnsel vm2, $0x0, v7  }
0x1c: {  	vm1 =	vgt.s32 v8, $0x0;
	v6 =	vmin.u32 v6, $0x6;
	v7 =	vmin.u32 v7, $0x7  }
0x1d: {  	v8 =	vnsel vm1, $0x0, v8;
	v6 =	vshll.u32 v6, $0x5;
	v7 =	vshll.u32 v7, $0x2  }
0x1e: {  	v8 =	vmin.u32 v8, $0x3;
	v6 =	vor.u32 v6, v7  }
0x1f: {  	s29 =	simm.s32 $0x3B00;
	v7 =	vadd.s32 s28, v2;
	v6 =	vor.u32 v8, v6  }
0x20: {  	[tilespmem:s29+$0x0] =	vst v6  }
0x21: {  	v8 =	vld.idx.msk [tilespmem:v9+s2+$0x0], $0xffff  }
0x22: {  	v9 =	vld.idx.msk [tilespmem:v10+s2+$0x0], $0xffff;
	_ =	sdelay $0x1  }
0x23: {  	v10 =	vld.idx.msk [tilespmem:v7+s2+$0x0], $0xffff;
	_ =	sdelay $0x1  }
0x24: {  	s30 =	simm.s32 $0x60  }
0x25: {  	v6 =	vadd.s32 s30, v0;
	vm1 =	vgt.s32 v8, $0x0;
	vm2 =	vgt.s32 v9, $0x0  }
0x26: {  	v7 =	vadd.s32 s30, v1;
	v8 =	vnsel vm1, $0x0, v8;
	v9 =	vnsel vm2, $0x0, v9  }
0x27: {  	v11 =	vmin.u32 v8, $0x6;
	v12 =	vmin.u32 v9, $0x7;
	vm1 =	vgt.s32 v10, $0x0  }
0x28: {  	s31 =	simm.s32 $0x90;
	v8 =	vnsel vm1, $0x0, v10;
	v9 =	vshll.u32 v11, $0x5;
	v10 =	vshll.u32 v12, $0x2  }
.LBB2_2:
0x29: {  	p0 =	sne.s32 s31, $0x3A80;
	v8 =	vmin.u32 v8, $0x3;
	v9 =	vor.u32 v9, v10  }
0x2a: {  	v10 =	vadd.s32 s30, v2;
	s29 =	sadd.s32 $0x10, s29;
	s30 =	smov.u32 s31;
	v8 =	vor.u32 v8, v9  }
0x2b: {  	s28 =	simm.s32 $0x0;
	[tilespmem:s29+$0x0] =	vst v8  }
0x2c: {  	v8 =	vld.idx.msk [tilespmem:v6+s28+$0x0], $0xffff  }
0x2d: {  	v9 =	vld.idx.msk [tilespmem:v7+s28+$0x0], $0xffff;
	_ =	sdelay $0x1  }
0x2e: {  	v10 =	vld.idx.msk [tilespmem:v10+s28+$0x0], $0xffff;
	_ =	sdelay $0x2  }
.Ltmp0:
0x2f: {  	(pc) =	sbr.rel @p0 .LBB2_2-.Ltmp0, $4  }
0x30: {  	v6 =	vadd.s32 s31, v0;
	vm1 =	vgt.s32 v8, $0x0;
	vm2 =	vgt.s32 v9, $0x0  }
0x31: {  	v7 =	vadd.s32 s31, v1;
	v8 =	vnsel vm1, $0x0, v8;
	v9 =	vnsel vm2, $0x0, v9  }
0x32: {  	v11 =	vmin.u32 v8, $0x6;
	v12 =	vmin.u32 v9, $0x7;
	vm1 =	vgt.s32 v10, $0x0  }
0x33: {  	s31 =	sadd.s32 $0x30, s31;
	v9 =	vshll.u32 v11, $0x5;
	v8 =	vnsel vm1, $0x0, v10;
	v10 =	vshll.u32 v12, $0x2  }
0x34: {  	_ = 	snop  }
0x35: {  	v8 =	vmin.u32 v8, $0x3;
	v9 =	vor.u32 v9, v10  }
0x36: {  	v63 =	vadd.s32 s30, v2;
	s29 =	sadd.s32 $0x10, s29;
	v8 =	vor.u32 v8, v9  }
0x37: {  	[tilespmem:s29+$0x0] =	vst v8  }
0x38: {  	v6 =	vld.idx.msk [tilespmem:v6+s28+$0x0], $0xffff  }
0x39: {  	v7 =	vld.idx.msk [tilespmem:v7+s28+$0x0], $0xffff;
	_ =	sdelay $0x1  }
0x3a: {  	v8 =	vld.idx.msk [tilespmem:v63+s28+$0x0], $0xffff;
	_ =	sdelay $0x2  }
0x3b: {  	vm1 =	vgt.s32 v6, $0x0;
	vm2 =	vgt.s32 v7, $0x0  }
0x3c: {  	v6 =	vnsel vm1, $0x0, v6;
	v7 =	vnsel vm2, $0x0, v7  }
0x3d: {  	v6 =	vmin.u32 v6, $0x6;
	v7 =	vmin.u32 v7, $0x7;
	vm1 =	vgt.s32 v8, $0x0  }
0x3e: {  	v8 =	vnsel vm1, $0x0, v8;
	v6 =	vshll.u32 v6, $0x5;
	v7 =	vshll.u32 v7, $0x2  }
0x3f: {  	v8 =	vmin.u32 v8, $0x3;
	v6 =	vor.u32 v6, v7  }
0x40: {  	s29 =	sadd.s32 $0x10, s29;
	v6 =	vor.u32 v8, v6  }
0x41: {  	[tilespmem:s29+$0x0] =	vst v6;
	s29 =	simm.s32 $0x3B40  }
.LBB2_4:
0x42: {  	v6 =	vld [tilespmem:s29+$0xFFFFFFC0];
	_ =	sdelay $0x4  }
0x43: {  	v7 =	vshll.u32 v6, $0x1  }
0x44: {  	v6 =	vand.u32 $0x7, v6;
	v7 =	vand.u32 $0xFFFFFFF0, v7  }
0x45: {  	v6 =	vor.u32 v6, v7  }
0x46: {  	v7 =	vperm.xlane v6, v3;
	_ =	sdelay $0x1  }
0x47: {  	v6 =	vperm.xlane v6, v5;
	v7 =	vadd.s32 v4, v7;
	_ =	sdelay $0x1  }
0x48: {  	v6 =	vadd.s32 v4, v6;
	_ =	sdelay $0x2  }
0x49: {  	[tilespmem:s9], [sflag:$0x1] =	stream.indirect_vreg.gather [hbm4b:s3+s2], $0x80, v7, vm0, $0xb8;
	[tilespmem:$0xCF00] =	vst v63  }
0x4a: {  	_ = 	snop  }
0x4b: {  	[tilespmem:s10], [sflag:$0x1] =	stream.indirect_vreg.gather [hbm4b:s3+s2], $0x80, v6, vm0, $0xb8;
	[tilespmem:$0xCF00] =	vst v63  }
0x4c: {  	v6 =	vld [tilespmem:s29+$0xFFFFFFD0];
	_ =	sdelay $0x4  }
0x4d: {  	v7 =	vshll.u32 v6, $0x1  }
0x4e: {  	v6 =	vand.u32 $0x7, v6;
	v7 =	vand.u32 $0xFFFFFFF0, v7  }
0x4f: {  	v6 =	vor.u32 v6, v7  }
0x50: {  	v7 =	vperm.xlane v6, v3;
	_ =	sdelay $0x1  }
0x51: {  	v6 =	vperm.xlane v6, v5;
	v7 =	vadd.s32 v4, v7;
	_ =	sdelay $0x1  }
0x52: {  	v6 =	vadd.s32 v4, v6;
	_ =	sdelay $0x2  }
0x53: {  	[tilespmem:s11], [sflag:$0x1] =	stream.indirect_vreg.gather [hbm4b:s3+s2], $0x80, v7, vm0, $0xb8;
	[tilespmem:$0xCF00] =	vst v63  }
0x54: {  	_ = 	snop  }
0x55: {  	[tilespmem:s12], [sflag:$0x1] =	stream.indirect_vreg.gather [hbm4b:s3+s2], $0x80, v6, vm0, $0xb8;
	[tilespmem:$0xCF00] =	vst v63  }
0x56: {  	v6 =	vld [tilespmem:s29+$0xFFFFFFE0];
	_ =	sdelay $0x4  }
0x57: {  	v7 =	vshll.u32 v6, $0x1  }
0x58: {  	v6 =	vand.u32 $0x7, v6;
	v7 =	vand.u32 $0xFFFFFFF0, v7  }
0x59: {  	v6 =	vor.u32 v6, v7  }
0x5a: {  	v7 =	vperm.xlane v6, v3;
	_ =	sdelay $0x1  }
0x5b: {  	v6 =	vperm.xlane v6, v5;
	v7 =	vadd.s32 v4, v7;
	_ =	sdelay $0x1  }
0x5c: {  	v6 =	vadd.s32 v4, v6;
	_ =	sdelay $0x2  }
0x5d: {  	[tilespmem:s13], [sflag:$0x1] =	stream.indirect_vreg.gather [hbm4b:s3+s2], $0x80, v7, vm0, $0xb8;
	[tilespmem:$0xCF00] =	vst v63  }
0x5e: {  	_ = 	snop  }
0x5f: {  	[tilespmem:s14], [sflag:$0x1] =	stream.indirect_vreg.gather [hbm4b:s3+s2], $0x80, v6, vm0, $0xb8;
	[tilespmem:$0xCF00] =	vst v63  }
0x60: {  	v6 =	vld [tilespmem:s29+$0xFFFFFFF0];
	_ =	sdelay $0x4  }
0x61: {  	v7 =	vshll.u32 v6, $0x1  }
0x62: {  	v6 =	vand.u32 $0x7, v6;
	v7 =	vand.u32 $0xFFFFFFF0, v7  }
0x63: {  	v6 =	vor.u32 v6, v7  }
0x64: {  	v7 =	vperm.xlane v6, v3;
	_ =	sdelay $0x1  }
0x65: {  	v6 =	vperm.xlane v6, v5;
	v7 =	vadd.s32 v4, v7;
	_ =	sdelay $0x1  }
0x66: {  	v6 =	vadd.s32 v4, v6;
	_ =	sdelay $0x2  }
0x67: {  	[tilespmem:s15], [sflag:$0x1] =	stream.indirect_vreg.gather [hbm4b:s3+s2], $0x80, v7, vm0, $0xb8;
	[tilespmem:$0xCF00] =	vst v63  }
0x68: {  	_ = 	snop  }
0x69: {  	[tilespmem:s16], [sflag:$0x1] =	stream.indirect_vreg.gather [hbm4b:s3+s2], $0x80, v6, vm0, $0xb8;
	[tilespmem:$0xCF00] =	vst v63  }
0x6a: {  	v6 =	vld [tilespmem:s29+$0x0];
	_ =	sdelay $0x4  }
0x6b: {  	v7 =	vshll.u32 v6, $0x1  }
0x6c: {  	v6 =	vand.u32 $0x7, v6;
	v7 =	vand.u32 $0xFFFFFFF0, v7  }
0x6d: {  	v6 =	vor.u32 v6, v7  }
0x6e: {  	v7 =	vperm.xlane v6, v3;
	_ =	sdelay $0x1  }
0x6f: {  	v6 =	vperm.xlane v6, v5;
	v7 =	vadd.s32 v4, v7;
	_ =	sdelay $0x1  }
0x70: {  	v6 =	vadd.s32 v4, v6;
	_ =	sdelay $0x2  }
0x71: {  	[tilespmem:s17], [sflag:$0x1] =	stream.indirect_vreg.gather [hbm4b:s3+s2], $0x80, v7, vm0, $0xb8;
	[tilespmem:$0xCF00] =	vst v63  }
0x72: {  	_ = 	snop  }
0x73: {  	[tilespmem:s18], [sflag:$0x1] =	stream.indirect_vreg.gather [hbm4b:s3+s2], $0x80, v6, vm0, $0xb8;
	[tilespmem:$0xCF00] =	vst v63  }
0x74: {  	v6 =	vld [tilespmem:s29+$0x10];
	_ =	sdelay $0x4  }
0x75: {  	v7 =	vshll.u32 v6, $0x1  }
0x76: {  	v6 =	vand.u32 $0x7, v6;
	v7 =	vand.u32 $0xFFFFFFF0, v7  }
0x77: {  	v6 =	vor.u32 v6, v7  }
0x78: {  	v7 =	vperm.xlane v6, v3;
	_ =	sdelay $0x1  }
0x79: {  	v6 =	vperm.xlane v6, v5;
	v7 =	vadd.s32 v4, v7;
	_ =	sdelay $0x1  }
0x7a: {  	v6 =	vadd.s32 v4, v6;
	_ =	sdelay $0x2  }
0x7b: {  	[tilespmem:s19], [sflag:$0x1] =	stream.indirect_vreg.gather [hbm4b:s3+s2], $0x80, v7, vm0, $0xb8;
	[tilespmem:$0xCF00] =	vst v63  }
0x7c: {  	_ = 	snop  }
0x7d: {  	[tilespmem:s20], [sflag:$0x1] =	stream.indirect_vreg.gather [hbm4b:s3+s2], $0x80, v6, vm0, $0xb8;
	[tilespmem:$0xCF00] =	vst v63  }
0x7e: {  	v6 =	vld [tilespmem:s29+$0x20];
	_ =	sdelay $0x4  }
0x7f: {  	v7 =	vshll.u32 v6, $0x1  }
0x80: {  	v6 =	vand.u32 $0x7, v6;
	v7 =	vand.u32 $0xFFFFFFF0, v7  }
0x81: {  	v6 =	vor.u32 v6, v7  }
0x82: {  	v7 =	vperm.xlane v6, v3;
	_ =	sdelay $0x1  }
0x83: {  	v6 =	vperm.xlane v6, v5;
	v7 =	vadd.s32 v4, v7;
	_ =	sdelay $0x1  }
0x84: {  	v6 =	vadd.s32 v4, v6;
	_ =	sdelay $0x2  }
0x85: {  	[tilespmem:s21], [sflag:$0x1] =	stream.indirect_vreg.gather [hbm4b:s3+s2], $0x80, v7, vm0, $0xb8;
	[tilespmem:$0xCF00] =	vst v63  }
0x86: {  	_ = 	snop  }
0x87: {  	[tilespmem:s22], [sflag:$0x1] =	stream.indirect_vreg.gather [hbm4b:s3+s2], $0x80, v6, vm0, $0xb8;
	[tilespmem:$0xCF00] =	vst v63  }
0x88: {  	v6 =	vld [tilespmem:s29+$0x30];
	_ =	sdelay $0x4  }
0x89: {  	v7 =	vshll.u32 v6, $0x1  }
0x8a: {  	v6 =	vand.u32 $0x7, v6;
	v7 =	vand.u32 $0xFFFFFFF0, v7  }
0x8b: {  	v6 =	vor.u32 v6, v7  }
0x8c: {  	v7 =	vperm.xlane v6, v3;
	_ =	sdelay $0x1  }
0x8d: {  	v6 =	vperm.xlane v6, v5;
	v7 =	vadd.s32 v4, v7;
	_ =	sdelay $0x1  }
0x8e: {  	v6 =	vadd.s32 v4, v6;
	_ =	sdelay $0x2  }
0x8f: {  	[tilespmem:s23], [sflag:$0x1] =	stream.indirect_vreg.gather [hbm4b:s3+s2], $0x80, v7, vm0, $0xb8;
	[tilespmem:$0xCF00] =	vst v63  }
0x90: {  	_ = 	snop  }
0x91: {  	[tilespmem:s24], [sflag:$0x1] =	stream.indirect_vreg.gather [hbm4b:s3+s2], $0x80, v6, vm0, $0xb8;
	[tilespmem:$0xCF00] =	vst v63  }
0x92: {  	_ =	swait.ge [sflag:s25], $0x8000  }
0x93: {  	p0 =	sne.s32 s28, $0x26000;
	[sflag:s25] =	ssyncset.done $0x0  }
.Ltmp1:
0x94: {  	s30 =	sadd.s32 s28, s7;
	[sflag:s25] =	ssyncadd.s32 $0xFFFF8000;
	(pc) =	sbr.rel @p0 .LBB2_4-.Ltmp1, $4  }
0x95: {  	[hbm4b:s30+s2] =	stream.linear.scatter [tilespmem:s9], [sflag:$0x2], $0x8000, $0x38;
	[tilespmem:$0xCF00] =	vst v63  }
0x96: {  	_ =	swait.ge [sflag:s8], $0x8000  }
0x97: {  	[sflag:s8] =	ssyncset.done $0x0  }
0x98: {  	s28 =	sadd.s32 $0x1000, s28;
	s29 =	sadd.s32 $0x80, s29;
	[sflag:s8] =	ssyncadd.s32 $0xFFFF8000  }
0x99: {  	v6 =	vld.msk [tilespmem:$0x4E80], $0xff;
	_ =	sdelay $0x4  }
0x9a: {  	v7 =	vshll.u32 v6, $0x1  }
0x9b: {  	v6 =	vand.u32 $0x7, v6;
	v7 =	vand.u32 $0xFFFFFFF0, v7  }
0x9c: {  	v6 =	vor.u32 v6, v7  }
0x9d: {  	v6 =	vperm.xlane v6, v3;
	_ =	sdelay $0x1  }
0x9e: {  	v6 =	vadd.s32 v4, v6;
	_ =	sdelay $0x4  }
0x9f: {  	[tilespmem:s9], [sflag:$0x1] =	stream.indirect_vreg.gather [hbm4b:s3+s2], $0x80, v6, vm0, $0xb8;
	[tilespmem:$0xCF00] =	vst v63  }
0xa0: {  	s26 =	sadd.s32 $0x1, s26;
	_ =	swait.ge [sflag:s25], $0x800  }
0xa1: {  	p0 =	sne.s32 s26, s6;
	[sflag:s25] =	ssyncset.done $0x0  }
.Ltmp2:
0xa2: {  	[sflag:s25] =	ssyncadd.s32 $0xFFFFF800;
	(pc) =	sbr.rel @p0 .LBB2_1-.Ltmp2, $4  }
0xa3: {  	[hbm4b:s5+s2] =	stream.linear.scatter [tilespmem:s9], [sflag:$0x2], $0x800, $0x38;
	[tilespmem:$0xCF00] =	vst v63  }
0xa4: {  	_ =	swait.ge [sflag:s8], $0x800  }
0xa5: {  	[sflag:s8] =	ssyncset.done $0x0  }
0xa6: {  	[sflag:s8] =	ssyncadd.s32 $0xFFFFF800  }
0xa7: {  	_ =	sfence.sel $0x180000  }
0xa8: {  	[bflag:$0x0] =	sbarrier.arrive $0xFFFF  }
0xa9: {  	p0 =	sne.s32 s0, $0x0;
	_ =	strace $0x90000047  }
0xaa: {  	s0 =	sadd.s32 @!p0 $0x100000, s1;
	[bflag:$0x2] =	sbarrier.arrive $0xFFFF  }
0xab: {  	[sflag:s0] =	ssyncadd.tile.s32 @!p0 $0x1;
	_ =	shalt  }
.Lfunc_end2:
_tile_overlayer_lowered:
.L_overlay_start_2:
0xac: {  	(tag) =	ssettag $0x2  }
0xad: {  	s0 =	rddreg [dreg:$0x0];
	s2 =	stileid.u32  }
0xae: {  	s1 =	rddreg [dreg:$0x1];
	p0 =	sne.s32 s2, $0x0  }
0xaf: {  	s3 =	rddreg [dreg:$0x2];
	[bflag:$0x3] =	sbarrier.arrive $0xFFFF;
	s2 =	simm.s32 @!p0 $0x1C02  }
0xb0: {  	[timem:s3], [sflag:s2] =	dma.local @!p0 [hbm:s0], s1  }
0xb1: {  	s0 =	simm.s32 @!p0 $0x2  }
0xb2: {  	_ =	swait.ge @!p0 [sflag:s0], s1  }
0xb3: {  	s1 =	ssub.s32 @!p0 $0x0, s1;
	[sflag:s0] =	ssyncset.done @!p0 $0x0  }
0xb4: {  	[sflag:s0] =	ssyncadd.s32 @!p0 s1  }
0xb5: {  	[bflag:$0x3] =	sbarrier.arrive $0xFFFF  }
0xb6: {  	_ =	shalt  }

</sc_bundles>
